<compile_context>
chip_gen: v7x
topology: tpu7x:2x2x1
jax: 0.10.2.dev20260603
libtpu: 0.0.44.dev20260713+nightly
codegen_flags: <defaults>
</compile_context>

<pallas_src>
import functools

import jax
import jax.numpy as jnp
from jax import lax
from jax.experimental import pallas as pl
from jax.experimental.pallas import tpu as pltpu
from jax.experimental.pallas import tpu_sc as plsc

KC = 8192
DD = 32
NN = 8192
BETA = 0.25
BN = 256
NB = NN // BN

SC_CORES = 2
SC_SUBCORES = 16
SC_WORKERS = SC_CORES * SC_SUBCORES
BPW = NN // SC_WORKERS


def _dist_body(z_ref, e_ref, idx_ref, loss_ref, perp_ref, counts_scr, acc_scr):
    i = pl.program_id(0)

    @pl.when(i == 0)
    def _():
        counts_scr[...] = jnp.zeros((1, KC), jnp.float32)
        acc_scr[0] = 0.0

    z = z_ref[...]
    e = e_ref[...]
    mm = lax.dot_general(z.astype(jnp.bfloat16), e,
                         (((1,), (1,)), ((), ())),
                         preferred_element_type=jnp.float32)
    z_sq = jnp.sum(z * z, axis=1, keepdims=True)
    ones_row = jnp.ones((1, DD), dtype=jnp.float32)
    e_sq_row = lax.dot_general(ones_row, e * e, (((1,), (1,)), ((), ())),
                               preferred_element_type=jnp.float32,
                               precision=lax.Precision.HIGHEST)
    dists = (z_sq + e_sq_row) - 2.0 * mm
    idx = jnp.argmin(dists, axis=1, keepdims=True).astype(jnp.int32)
    dmin = jnp.min(dists, axis=1, keepdims=True)
    idx_ref[...] = idx

    k_row = lax.broadcasted_iota(jnp.int32, (1, KC), 1)
    oh = (idx == k_row).astype(jnp.float32)
    counts_scr[...] += jnp.sum(oh, axis=0, keepdims=True)
    acc_scr[0] += jnp.sum(dmin)

    @pl.when(i == NB - 1)
    def _():
        loss = 1.25 * (acc_scr[0] / (NN * DD))
        p = counts_scr[...] * (1.0 / NN)
        eps = 1e-10
        ent = jnp.sum((p + eps) * jnp.log(p + eps))
        loss_ref[...] = jnp.reshape(loss, (1, 1))
        perp_ref[...] = jnp.reshape(jnp.exp(-ent), (1, 1))


def _dist_argmin(z_flat, E):
    return pl.pallas_call(
        _dist_body,
        grid=(NB,),
        in_specs=[
            pl.BlockSpec((BN, DD), lambda i: (i, 0)),
            pl.BlockSpec((KC, DD), lambda i: (0, 0)),
        ],
        out_specs=[
            pl.BlockSpec((BN, 1), lambda i: (i, 0)),
            pl.BlockSpec((1, 1), lambda i: (0, 0)),
            pl.BlockSpec((1, 1), lambda i: (0, 0)),
        ],
        out_shape=[
            jax.ShapeDtypeStruct((NN, 1), jnp.int32),
            jax.ShapeDtypeStruct((1, 1), jnp.float32),
            jax.ShapeDtypeStruct((1, 1), jnp.float32),
        ],
        scratch_shapes=[
            pltpu.VMEM((1, KC), jnp.float32),
            pltpu.SMEM((1,), jnp.float32),
        ],
    )(z_flat, E)


def _sc_gather(E128, idx):
    mesh = plsc.VectorSubcoreMesh(core_axis_name="c", subcore_axis_name="s")

    @functools.partial(
        pl.kernel,
        mesh=mesh,
        out_type=jax.ShapeDtypeStruct((NN, DD), jnp.float32),
        scratch_types=[
            pltpu.VMEM((BPW,), jnp.int32),
            pltpu.VMEM((BPW, 128), jnp.float32),
            pltpu.VMEM((BPW, DD), jnp.float32),
            pltpu.SemaphoreType.DMA,
        ],
    )
    def k(e_hbm, idx_hbm, zq_hbm, idx_v, rows_v, zq_v, sem):
        wid = lax.axis_index("s") * SC_CORES + lax.axis_index("c")
        base = wid * BPW
        pltpu.sync_copy(idx_hbm.at[pl.ds(base, BPW)], idx_v)
        pltpu.async_copy(e_hbm.at[idx_v], rows_v, sem).wait()

        def extract(i, _):
            zq_v[i, pl.ds(0, 16)] = rows_v[i, pl.ds(0, 16)]
            zq_v[i, pl.ds(16, 16)] = rows_v[i, pl.ds(16, 16)]
            return 0
        lax.fori_loop(0, BPW, extract, 0)

        pltpu.sync_copy(zq_v, zq_hbm.at[pl.ds(base, BPW)])

    return k(E128, idx)


def kernel(z, E):
    zp = jnp.transpose(z, (0, 2, 3, 1))
    z_flat = zp.reshape(NN, DD)
    idx2, loss2, perp2 = _dist_argmin(z_flat, E)
    E128 = jnp.pad(E, ((0, 0), (0, 128 - DD)))
    z_q = _sc_gather(E128, idx2.reshape(NN))
    z_q = z_q.reshape(zp.shape)
    z_q_st = zp + (z_q - zp)
    z_q_out = jnp.transpose(z_q_st, (0, 3, 1, 2))
    return (loss2[0, 0], z_q_out, perp2[0, 0])

# --- scband reference (transcript-rebuilt; emitter-appended) ---
"""Pipeline reference for scband-quantizer-18141941858842 (READ-ONLY COPY).

The authoritative reference and input builder live on the scoring server;
editing this copy changes nothing except your own understanding.
"""

import jax, jax.numpy as jnp
import numpy as np

K = 8192
D = 32
BETA = 0.25

def setup_inputs(seed: int = 0) -> dict:
    key = jax.random.key(seed)
    k1, k2 = jax.random.split(key)
    z = jax.random.normal(k1, (8, 32, 32, 32), dtype=jnp.float32)
    E = jax.random.uniform(k2, (K, D), minval=-1.0 / K, maxval=1.0 / K, dtype=jnp.float32)
    return {"z": z, "E": E}

def reference(z, E):
    # z: [B, C=D, H, W] -> [B, H, W, D]
    zp = jnp.transpose(z, (0, 2, 3, 1))
    z_flat = zp.reshape(-1, D)
    dists = (z_flat ** 2).sum(axis=1, keepdims=True) + (E ** 2).sum(axis=1, keepdims=True).T - 2.0 * jnp.matmul(z_flat, E.T)
    closest_indices = jnp.argmin(dists, axis=1)
    one_hot = jax.nn.one_hot(closest_indices, K, dtype=jnp.float32)
    z_q = jnp.take(E, closest_indices, axis=0).reshape(zp.shape)
    codebook_loss = jnp.mean((jax.lax.stop_gradient(z_q) - zp) ** 2)
    commitment_loss = BETA * jnp.mean((z_q - jax.lax.stop_gradient(zp)) ** 2)
    loss = codebook_loss + commitment_loss
    e_mean = one_hot.mean(axis=0)
    eps = 1e-10
    perplexity = jnp.exp(-jnp.sum((e_mean + eps) * jnp.log(e_mean + eps)))
    z_q_st = zp + jax.lax.stop_gradient(z_q - zp)
    z_q_out = jnp.transpose(z_q_st, (0, 3, 1, 2))
    return (loss, z_q_out, perplexity)

if __name__ == "__main__":
    import jax
    _d = setup_inputs()
    print(jax.jit(kernel)(*tuple(_d.values())))

</pallas_src>

<mosaic_0001>
#map = affine_map<(d0, d1) -> (0, 0)>
#map1 = affine_map<(d0, d1) -> (0)>
module attributes {stable_mosaic.version = 14 : i64} {
  func.func @k(%arg0: i32, %arg1: i32, %arg2: memref<8192x128xf32, #tpu.memory_space<hbm>>, %arg3: memref<8192xi32, #tpu.memory_space<hbm>>, %arg4: memref<8192x32xf32, #tpu.memory_space<hbm>>, %arg5: memref<256xi32, #tpu.memory_space<vmem>>, %arg6: memref<256x128xf32, #tpu.memory_space<vmem>>, %arg7: memref<256x32xf32, #tpu.memory_space<vmem>>, %arg8: memref<!tpu.dma_semaphore, #tpu.memory_space<semaphore_mem>>) attributes {dimension_semantics = [#tpu.dimension_semantics<core_parallel>, #tpu.dimension_semantics<subcore_parallel>], iteration_bounds = array<i64: 2, 16>, scalar_prefetch = 0 : i64, scratch_operands = 4 : i64, tpu.core_type = #tpu.core_type<sc_vector_subcore>, window_params = [{transform_indices = #map}, {transform_indices = #map1}, {transform_indices = #map}]} {
    %mul3A = arith.constant 2 : i32
    %mul3A_0 = arith.muli %arg1, %mul3A : i32
    %add3A = arith.addi %mul3A_0, %arg0 : i32
    %mul3A_1 = arith.constant 256 : i32
    %mul3A_2 = arith.muli %add3A, %mul3A_1 : i32
    "tpu.region"() ({
      %run_scoped3A = tpu.sem_alloc : memref<!tpu.dma_semaphore, #tpu.memory_space<semaphore_mem>>
      %dma_start3A_13 = tpu.memref_slice %arg3[%mul3A_2] : memref<8192xi32, #tpu.memory_space<hbm>> -> memref<256xi32, #tpu.memory_space<hbm>>
      %dma_start3A_14 = tpu.memref_slice %arg3[%mul3A_2] : memref<8192xi32, #tpu.memory_space<hbm>> -> memref<256xi32, #tpu.memory_space<hbm>>
      tpu.enqueue_dma source(%dma_start3A_14 : memref<256xi32, #tpu.memory_space<hbm>>) target(%arg5 : memref<256xi32, #tpu.memory_space<vmem>>) target_semaphore(%run_scoped3A : memref<!tpu.dma_semaphore, #tpu.memory_space<semaphore_mem>>)
      %dma_wait3A_15 = tpu.memref_slice %arg3[%mul3A_2] : memref<8192xi32, #tpu.memory_space<hbm>> -> memref<256xi32, #tpu.memory_space<hbm>>
      %dma_wait3A_16 = tpu.memref_slice %arg3[%mul3A_2] : memref<8192xi32, #tpu.memory_space<hbm>> -> memref<256xi32, #tpu.memory_space<hbm>>
      tpu.wait_dma2 semaphore(%run_scoped3A : memref<!tpu.dma_semaphore, #tpu.memory_space<semaphore_mem>>) src(%dma_wait3A_16 : memref<256xi32, #tpu.memory_space<hbm>>) dst(%arg5 : memref<256xi32, #tpu.memory_space<vmem>>)
      tpu.yield
    }) : () -> ()
    %dma_start3A = arith.constant 0 : i32
    %dma_start3A_3 = arith.constant 0 : i32
    %dma_start3A_4 = tpu.memref_slice %arg2[%dma_start3A, %dma_start3A_3] : memref<8192x128xf32, #tpu.memory_space<hbm>> -> memref<8192x128xf32, #tpu.memory_space<hbm>>
    tpu.enqueue_indirect_dma source(%dma_start3A_4 : memref<8192x128xf32, #tpu.memory_space<hbm>>) target(%arg6 : memref<256x128xf32, #tpu.memory_space<vmem>>) offsets(%arg5 : memref<256xi32, #tpu.memory_space<vmem>>) semaphore(%arg8 : memref<!tpu.dma_semaphore, #tpu.memory_space<semaphore_mem>>)
    %dma_wait3A = arith.constant 0 : i32
    %dma_wait3A_5 = arith.constant 0 : i32
    %dma_wait3A_6 = tpu.memref_slice %arg2[%dma_wait3A, %dma_wait3A_5] : memref<8192x128xf32, #tpu.memory_space<hbm>> -> memref<8192x128xf32, #tpu.memory_space<hbm>>
    tpu.wait_indirect_dma semaphore(%arg8 : memref<!tpu.dma_semaphore, #tpu.memory_space<semaphore_mem>>) src(%dma_wait3A_6 : memref<8192x128xf32, #tpu.memory_space<hbm>>) dst(%arg6 : memref<256x128xf32, #tpu.memory_space<vmem>>)
    %scan3A = arith.constant 0 : i32
    %scan3A_7 = arith.constant 0 : i32
    %scan3A_8 = arith.constant 256 : i32
    %scan3A_9 = arith.addi %scan3A_7, %scan3A_8 : i32
    %scan3A_10 = arith.constant 1 : i32
    %scan3A_11 = scf.for %scan3A_13 = %scan3A_7 to %scan3A_9 step %scan3A_10 iter_args(%scan3A_14 = %scan3A) -> (i32)  : i32 {
      %get3A = arith.index_cast %scan3A_13 : i32 to index
      %get3A_15 = arith.constant 0 : index
      %get3A_16 = tpu.vector_load %arg6[%get3A, %get3A_15] {strides = array<i32>} : memref<256x128xf32, #tpu.memory_space<vmem>>, vector<1x16xf32>,
      %get3A_17 = vector.shape_cast %get3A_16 : vector<1x16xf32> to vector<16xf32>
      %swap3A = arith.index_cast %scan3A_13 : i32 to index
      %swap3A_18 = arith.constant 0 : index
      %swap3A_19 = tpu.vector_load %arg7[%swap3A, %swap3A_18] {strides = array<i32>} : memref<256x32xf32, #tpu.memory_space<vmem>>, vector<1x16xf32>,
      %swap3A_20 = vector.shape_cast %swap3A_19 : vector<1x16xf32> to vector<16xf32>
      %swap3A_21 = vector.shape_cast %get3A_17 : vector<16xf32> to vector<1x16xf32>
      tpu.vector_store %arg7[%swap3A, %swap3A_18], %swap3A_21 {strides = array<i32>} : memref<256x32xf32, #tpu.memory_space<vmem>>, vector<1x16xf32>,
      %get3A_22 = arith.index_cast %scan3A_13 : i32 to index
      %get3A_23 = arith.constant 16 : index
      %get3A_24 = tpu.vector_load %arg6[%get3A_22, %get3A_23] {strides = array<i32>} : memref<256x128xf32, #tpu.memory_space<vmem>>, vector<1x16xf32>,
      %get3A_25 = vector.shape_cast %get3A_24 : vector<1x16xf32> to vector<16xf32>
      %swap3A_26 = arith.index_cast %scan3A_13 : i32 to index
      %swap3A_27 = arith.constant 16 : index
      %swap3A_28 = tpu.vector_load %arg7[%swap3A_26, %swap3A_27] {strides = array<i32>} : memref<256x32xf32, #tpu.memory_space<vmem>>, vector<1x16xf32>,
      %swap3A_29 = vector.shape_cast %swap3A_28 : vector<1x16xf32> to vector<16xf32>
      %swap3A_30 = vector.shape_cast %get3A_25 : vector<16xf32> to vector<1x16xf32>
      tpu.vector_store %arg7[%swap3A_26, %swap3A_27], %swap3A_30 {strides = array<i32>} : memref<256x32xf32, #tpu.memory_space<vmem>>, vector<1x16xf32>,
      %scan3A_31 = arith.constant 0 : i32
      scf.yield %scan3A_31 : i32
    }
    %scan3A_12 = arith.constant 256 : i32
    "tpu.region"() ({
      %run_scoped3A = tpu.sem_alloc : memref<!tpu.dma_semaphore, #tpu.memory_space<semaphore_mem>>
      %dma_start3A_13 = arith.constant 0 : i32
      %dma_start3A_14 = tpu.memref_slice %arg4[%mul3A_2, %dma_start3A_13] : memref<8192x32xf32, #tpu.memory_space<hbm>> -> memref<256x32xf32, #tpu.memory_space<hbm>>
      %dma_start3A_15 = arith.constant 0 : i32
      %dma_start3A_16 = tpu.memref_slice %arg4[%mul3A_2, %dma_start3A_15] : memref<8192x32xf32, #tpu.memory_space<hbm>> -> memref<256x32xf32, #tpu.memory_space<hbm>>
      tpu.enqueue_dma source(%arg7 : memref<256x32xf32, #tpu.memory_space<vmem>>) target(%dma_start3A_16 : memref<256x32xf32, #tpu.memory_space<hbm>>) target_semaphore(%run_scoped3A : memref<!tpu.dma_semaphore, #tpu.memory_space<semaphore_mem>>)
      %dma_wait3A_17 = arith.constant 0 : i32
      %dma_wait3A_18 = tpu.memref_slice %arg4[%mul3A_2, %dma_wait3A_17] : memref<8192x32xf32, #tpu.memory_space<hbm>> -> memref<256x32xf32, #tpu.memory_space<hbm>>
      %dma_wait3A_19 = arith.constant 0 : i32
      %dma_wait3A_20 = tpu.memref_slice %arg4[%mul3A_2, %dma_wait3A_19] : memref<8192x32xf32, #tpu.memory_space<hbm>> -> memref<256x32xf32, #tpu.memory_space<hbm>>
      tpu.wait_dma2 semaphore(%run_scoped3A : memref<!tpu.dma_semaphore, #tpu.memory_space<semaphore_mem>>) src(%arg7 : memref<256x32xf32, #tpu.memory_space<vmem>>) dst(%dma_wait3A_20 : memref<256x32xf32, #tpu.memory_space<hbm>>)
      tpu.yield
    }) : () -> ()
    return
  }
}

module attributes {stable_mosaic.version = 14 : i64} {
  func.func @_dist_body(%arg0: i32, %arg1: memref<256x32xf32, #tpu.memory_space<vmem>>, %arg2: memref<8192x32xf32, #tpu.memory_space<vmem>>, %arg3: memref<256x1xi32, #tpu.memory_space<vmem>>, %arg4: memref<1x1xf32, #tpu.memory_space<vmem>>, %arg5: memref<1x1xf32, #tpu.memory_space<vmem>>, %arg6: memref<1x8192xf32, #tpu.memory_space<vmem>>, %arg7: memref<1xf32, #tpu.memory_space<smem>>) attributes {dimension_semantics = [#tpu.dimension_semantics<arbitrary>], iteration_bounds = array<i64: 32>, scalar_prefetch = 0 : i64, scratch_operands = 2 : i64, tpu.core_type = #tpu.core_type<tc>, window_params = [{transform_indices = @transform_0, window_bounds = array<i64: 256, 32>}, {pipeline_mode = #tpu.pipeline_mode<synchronous>, transform_indices = @transform_1, window_bounds = array<i64: 8192, 32>}, {transform_indices = @transform_2, window_bounds = array<i64: 256, 1>}, {pipeline_mode = #tpu.pipeline_mode<synchronous>, transform_indices = @transform_3, window_bounds = array<i64: 1, 1>}, {pipeline_mode = #tpu.pipeline_mode<synchronous>, transform_indices = @transform_4, window_bounds = array<i64: 1, 1>}]} {
    %eq3A = arith.constant 0 : i32
    %eq3A_0 = arith.cmpi eq, %arg0, %eq3A : i32
    %convert_element_type3A = arith.extui %eq3A_0 : i1 to i32
    %cond3A = arith.constant 0 : i32
    %cond3A_1 = arith.cmpi ne, %convert_element_type3A, %cond3A : i32
    scf.if %cond3A_1 {
      %broadcast_in_dim3A_55 = arith.constant 0.000000e+00 : f32
      %broadcast_in_dim3A_56 = vector.broadcast %broadcast_in_dim3A_55 : f32 to vector<1x8192xf32>
      %swap3A_57 = arith.constant 0 : index
      %swap3A_58 = arith.constant 0 : index
      %swap3A_59 = vector.load %arg6[%swap3A_57, %swap3A_58] : memref<1x8192xf32, #tpu.memory_space<vmem>>, vector<1x8192xf32>
      tpu.vector_store %arg6[%swap3A_57, %swap3A_58], %broadcast_in_dim3A_56 {strides = array<i32>} : memref<1x8192xf32, #tpu.memory_space<vmem>>, vector<1x8192xf32>,
      %swap3A_60 = arith.constant 0.000000e+00 : f32
      %swap3A_61 = arith.constant 0 : index
      %swap3A_62 = memref.load %arg7[%swap3A_61] : memref<1xf32, #tpu.memory_space<smem>>
      memref.store %swap3A_60, %arg7[%swap3A_61] : memref<1xf32, #tpu.memory_space<smem>>
    } else {
    }
    %get3A = arith.constant 0 : index
    %get3A_2 = arith.constant 0 : index
    %get3A_3 = vector.load %arg1[%get3A, %get3A_2] : memref<256x32xf32, #tpu.memory_space<vmem>>, vector<256x32xf32>
    %get3A_4 = arith.constant 0 : index
    %get3A_5 = arith.constant 0 : index
    %get3A_6 = vector.load %arg2[%get3A_4, %get3A_5] : memref<8192x32xf32, #tpu.memory_space<vmem>>, vector<8192x32xf32>
    %convert_element_type3A_7 = arith.truncf %get3A_3 : vector<256x32xf32> to vector<256x32xbf16>
    %dot_general3A = arith.constant dense<0.000000e+00> : vector<256x8192xf32>
    %dot_general3A_8 = tpu.matmul %convert_element_type3A_7, %get3A_6, %dot_general3A {dimension_numbers = #tpu.dot_dimension_numbers<[1], [1], [0], [0], [0, 0, 1, 0], [], []>, transpose_lhs_hint = false} : vector<256x32xbf16>, vector<8192x32xf32>, vector<256x8192xf32> -> vector<256x8192xf32>
    %mul3A = arith.mulf %get3A_3, %get3A_3 : vector<256x32xf32>
    %reduce_sum3A = arith.constant dense<0.000000e+00> : vector<256xf32>
    %reduce_sum3A_9 = vector.multi_reduction <add>, %mul3A, %reduce_sum3A [1] : vector<256x32xf32> to vector<256xf32>
    %broadcast_in_dim3A = vector.shape_cast %reduce_sum3A_9 : vector<256xf32> to vector<256x1xf32>
    %broadcast_in_dim3A_10 = arith.constant 1.000000e+00 : f32
    %broadcast_in_dim3A_11 = vector.broadcast %broadcast_in_dim3A_10 : f32 to vector<1x32xf32>
    %mul3A_12 = arith.mulf %get3A_6, %get3A_6 : vector<8192x32xf32>
    %dot_general3A_13 = arith.constant dense<0.000000e+00> : vector<1x8192xf32>
    %dot_general3A_14 = tpu.matmul %broadcast_in_dim3A_11, %mul3A_12, %dot_general3A_13 {dimension_numbers = #tpu.dot_dimension_numbers<[1], [1], [0], [0], [0, 0, 1, 0], [], []>, precision = #tpu.contract_precision<fp32>, transpose_lhs_hint = false} : vector<1x32xf32>, vector<8192x32xf32>, vector<1x8192xf32> -> vector<1x8192xf32>
    %add3A = vector.broadcast %broadcast_in_dim3A : vector<256x1xf32> to vector<256x8192xf32>
    %add3A_15 = vector.broadcast %dot_general3A_14 : vector<1x8192xf32> to vector<256x8192xf32>
    %add3A_16 = arith.addf %add3A, %add3A_15 : vector<256x8192xf32>
    %mul3A_17 = arith.constant 2.000000e+00 : f32
    %mul3A_18 = vector.broadcast %mul3A_17 : f32 to vector<256x8192xf32>
    %mul3A_19 = arith.mulf %mul3A_18, %dot_general3A_8 : vector<256x8192xf32>
    %sub3A = arith.subf %add3A_16, %mul3A_19 : vector<256x8192xf32>
    %argmin3A = tpu.reduce_index %sub3A {axis = 1 : i32, kind = #tpu.reduction_kind<arg_min>} : vector<256x8192xf32> -> vector<256xi32>
    %broadcast_in_dim3A_20 = vector.shape_cast %argmin3A : vector<256xi32> to vector<256x1xi32>
    %reduce_min3A = arith.constant dense<0x7F800000> : vector<256xf32>
    %reduce_min3A_21 = vector.multi_reduction <minimumf>, %sub3A, %reduce_min3A [1] : vector<256x8192xf32> to vector<256xf32>
    %broadcast_in_dim3A_22 = vector.shape_cast %reduce_min3A_21 : vector<256xf32> to vector<256x1xf32>
    %swap3A = arith.constant 0 : index
    %swap3A_23 = arith.constant 0 : index
    %swap3A_24 = vector.load %arg3[%swap3A, %swap3A_23] : memref<256x1xi32, #tpu.memory_space<vmem>>, vector<256x1xi32>
    tpu.vector_store %arg3[%swap3A, %swap3A_23], %broadcast_in_dim3A_20 {strides = array<i32>} : memref<256x1xi32, #tpu.memory_space<vmem>>, vector<256x1xi32>,
    %iota3A = tpu.iota {dimensions = array<i32: 1>} : vector<1x8192xi32>
    %eq3A_25 = vector.broadcast %broadcast_in_dim3A_20 : vector<256x1xi32> to vector<256x8192xi32>
    %eq3A_26 = vector.broadcast %iota3A : vector<1x8192xi32> to vector<256x8192xi32>
    %eq3A_27 = arith.cmpi eq, %eq3A_25, %eq3A_26 : vector<256x8192xi32>
    %convert_element_type3A_28 = arith.extui %eq3A_27 : vector<256x8192xi1> to vector<256x8192xi32>
    %convert_element_type3A_29 = arith.sitofp %convert_element_type3A_28 : vector<256x8192xi32> to vector<256x8192xf32>
    %get3A_30 = arith.constant 0 : index
    %get3A_31 = arith.constant 0 : index
    %get3A_32 = vector.load %arg6[%get3A_30, %get3A_31] : memref<1x8192xf32, #tpu.memory_space<vmem>>, vector<1x8192xf32>
    %reduce_sum3A_33 = arith.constant dense<0.000000e+00> : vector<8192xf32>
    %reduce_sum3A_34 = vector.multi_reduction <add>, %convert_element_type3A_29, %reduce_sum3A_33 [0] : vector<256x8192xf32> to vector<8192xf32>
    %broadcast_in_dim3A_35 = vector.shape_cast %reduce_sum3A_34 : vector<8192xf32> to vector<1x8192xf32>
    %add3A_36 = arith.addf %get3A_32, %broadcast_in_dim3A_35 : vector<1x8192xf32>
    %swap3A_37 = arith.constant 0 : index
    %swap3A_38 = arith.constant 0 : index
    %swap3A_39 = vector.load %arg6[%swap3A_37, %swap3A_38] : memref<1x8192xf32, #tpu.memory_space<vmem>>, vector<1x8192xf32>
    tpu.vector_store %arg6[%swap3A_37, %swap3A_38], %add3A_36 {strides = array<i32>} : memref<1x8192xf32, #tpu.memory_space<vmem>>, vector<1x8192xf32>,
    %get3A_40 = arith.constant 0 : index
    %get3A_41 = memref.load %arg7[%get3A_40] : memref<1xf32, #tpu.memory_space<smem>>
    %reduce_sum3A_42 = vector.shape_cast %broadcast_in_dim3A_22 : vector<256x1xf32> to vector<1x256x1xf32>
    %reduce_sum3A_43 = arith.constant dense<0.000000e+00> : vector<1xf32>
    %reduce_sum3A_44 = vector.multi_reduction <add>, %reduce_sum3A_42, %reduce_sum3A_43 [1, 2] : vector<1x256x1xf32> to vector<1xf32>
    %reduce_sum3A_45 = vector.shape_cast %reduce_sum3A_44 : vector<1xf32> to vector<1x1x1xf32>
    %reduce_sum3A_46 = vector.extract %reduce_sum3A_45[0, 0, 0] : f32 from vector<1x1x1xf32>
    %add3A_47 = arith.addf %get3A_41, %reduce_sum3A_46 : f32
    %swap3A_48 = arith.constant 0 : index
    %swap3A_49 = memref.load %arg7[%swap3A_48] : memref<1xf32, #tpu.memory_space<smem>>
    memref.store %add3A_47, %arg7[%swap3A_48] : memref<1xf32, #tpu.memory_space<smem>>
    %eq3A_50 = arith.constant 31 : i32
    %eq3A_51 = arith.cmpi eq, %arg0, %eq3A_50 : i32
    %convert_element_type3A_52 = arith.extui %eq3A_51 : i1 to i32
    %cond3A_53 = arith.constant 0 : i32
    %cond3A_54 = arith.cmpi ne, %convert_element_type3A_52, %cond3A_53 : i32
    scf.if %cond3A_54 {
      %get3A_55 = arith.constant 0 : index
      %get3A_56 = memref.load %arg7[%get3A_55] : memref<1xf32, #tpu.memory_space<smem>>
      %div3A = arith.constant 2.621440e+05 : f32
      %div3A_57 = arith.divf %get3A_56, %div3A : f32
      %mul3A_58 = arith.constant 1.250000e+00 : f32
      %mul3A_59 = arith.mulf %mul3A_58, %div3A_57 : f32
      %get3A_60 = arith.constant 0 : index
      %get3A_61 = arith.constant 0 : index
      %get3A_62 = vector.load %arg6[%get3A_60, %get3A_61] : memref<1x8192xf32, #tpu.memory_space<vmem>>, vector<1x8192xf32>
      %mul3A_63 = arith.constant 1.22070313E-4 : f32
      %mul3A_64 = vector.broadcast %mul3A_63 : f32 to vector<1x8192xf32>
      %mul3A_65 = arith.mulf %get3A_62, %mul3A_64 : vector<1x8192xf32>
      %add3A_66 = arith.constant 1.000000e-10 : f32
      %add3A_67 = vector.broadcast %add3A_66 : f32 to vector<1x8192xf32>
      %add3A_68 = arith.addf %mul3A_65, %add3A_67 : vector<1x8192xf32>
      %add3A_69 = arith.constant 1.000000e-10 : f32
      %add3A_70 = vector.broadcast %add3A_69 : f32 to vector<1x8192xf32>
      %add3A_71 = arith.addf %mul3A_65, %add3A_70 : vector<1x8192xf32>
      %log3A = math.log %add3A_71 : vector<1x8192xf32>
      %mul3A_72 = arith.mulf %add3A_68, %log3A : vector<1x8192xf32>
      %reduce_sum3A_73 = vector.shape_cast %mul3A_72 : vector<1x8192xf32> to vector<1x1x8192xf32>
      %reduce_sum3A_74 = arith.constant dense<0.000000e+00> : vector<1xf32>
      %reduce_sum3A_75 = vector.multi_reduction <add>, %reduce_sum3A_73, %reduce_sum3A_74 [1, 2] : vector<1x1x8192xf32> to vector<1xf32>
      %reduce_sum3A_76 = vector.shape_cast %reduce_sum3A_75 : vector<1xf32> to vector<1x1x1xf32>
      %reduce_sum3A_77 = vector.extract %reduce_sum3A_76[0, 0, 0] : f32 from vector<1x1x1xf32>
      %reshape3A = vector.broadcast %mul3A_59 : f32 to vector<1x1xf32>
      %swap3A_78 = arith.constant 0 : index
      %swap3A_79 = arith.constant 0 : index
      %swap3A_80 = vector.load %arg4[%swap3A_78, %swap3A_79] : memref<1x1xf32, #tpu.memory_space<vmem>>, vector<1x1xf32>
      tpu.vector_store %arg4[%swap3A_78, %swap3A_79], %reshape3A {strides = array<i32>} : memref<1x1xf32, #tpu.memory_space<vmem>>, vector<1x1xf32>,
      %neg3A = arith.constant 0.000000e+00 : f32
      %neg3A_81 = arith.subf %neg3A, %reduce_sum3A_77 : f32
      %exp3A = math.exp %neg3A_81 : f32
      %reshape3A_82 = vector.broadcast %exp3A : f32 to vector<1x1xf32>
      %swap3A_83 = arith.constant 0 : index
      %swap3A_84 = arith.constant 0 : index
      %swap3A_85 = vector.load %arg5[%swap3A_83, %swap3A_84] : memref<1x1xf32, #tpu.memory_space<vmem>>, vector<1x1xf32>
      tpu.vector_store %arg5[%swap3A_83, %swap3A_84], %reshape3A_82 {strides = array<i32>} : memref<1x1xf32, #tpu.memory_space<vmem>>, vector<1x1xf32>,
    } else {
    }
    return
  }
  func.func @transform_0(%arg0: i32) -> (i32, i32) {
    %c0_i32 = arith.constant 0 : i32
    %c0_i32_0 = arith.constant 0 : i32
    return %arg0, %c0_i32 : i32, i32
  }
  func.func @transform_1(%arg0: i32) -> (i32, i32) {
    %c0_i32 = arith.constant 0 : i32
    %c0_i32_0 = arith.constant 0 : i32
    %c0_i32_1 = arith.constant 0 : i32
    return %c0_i32, %c0_i32_0 : i32, i32
  }
  func.func @transform_2(%arg0: i32) -> (i32, i32) {
    %c0_i32 = arith.constant 0 : i32
    %c0_i32_0 = arith.constant 0 : i32
    return %arg0, %c0_i32 : i32, i32
  }
  func.func @transform_3(%arg0: i32) -> (i32, i32) {
    %c0_i32 = arith.constant 0 : i32
    %c0_i32_0 = arith.constant 0 : i32
    %c0_i32_1 = arith.constant 0 : i32
    return %c0_i32, %c0_i32_0 : i32, i32
  }
  func.func @transform_4(%arg0: i32) -> (i32, i32) {
    %c0_i32 = arith.constant 0 : i32
    %c0_i32_0 = arith.constant 0 : i32
    %c0_i32_1 = arith.constant 0 : i32
    return %c0_i32, %c0_i32_0 : i32, i32
  }
}

</mosaic_0001>

<sc_bundles>
// kernel: kernel.4.cloned.1.call-start
scs
__scs_entry_jumppad:
0x0: {  	(pc) =	sbr.rel $0x88, $3  }
0x1: {  	(tag) =	ssettag $0x0;
	lr =	simm.s32 $0x1  }
0x2: {  	[smem:$0x3F9F] =	sst lr;
	_ =	strace $0xD0000000  }
0x3: {  	_ = 	snop  }
0x4: {  	_ = 	snop  }
0x5: {  	_ = 	snop  }
0x6: {  	_ = 	snop  }
0x7: {  	_ = 	snop  }
__scs_overlays_trampoline_lowered:
0x8: {  	[smem:$0x3FAE] =	sst s0  }
0x9: {  	[smem:$0x3FAF] =	sst s1  }
0xa: {  	[smem:$0x3FB0] =	sst s2  }
0xb: {  	[smem:$0x3FB1] =	sst s3  }
0xc: {  	[smem:$0x3FB2] =	sst s4  }
0xd: {  	[smem:$0x3FB3] =	sst s5  }
0xe: {  	[smem:$0x3FB4] =	sst s6  }
0xf: {  	[smem:$0x3FB5] =	sst s7  }
0x10: {  	[smem:$0x3FB6] =	sst s8  }
0x11: {  	[smem:$0x3FB7] =	sst s9;
	s0 =	simm.s32 @!p0 $0x0  }
0x12: {  	s1 =	sld [smem:$0x3F9D];
	s0 =	simm.s32 @p0 $0x1  }
0x13: {  	[smem:$0x3FB8] =	sst s0;
	s0 =	simm.s32 @!p1 $0x0  }
0x14: {  	s2 =	sld [smem:$0x3F9C];
	s0 =	simm.s32 @p1 $0x1  }
0x15: {  	[smem:$0x3FB9] =	sst s0;
	s0 =	simm.s32 @!p2 $0x0  }
0x16: {  	s3 =	sld [smem:$0x3FDB];
	s0 =	simm.s32 @p2 $0x1  }
0x17: {  	s4 =	simm.s32 $0x1BF5;
	[smem:$0x3FBB] =	sst s0  }
0x18: {  	s0 =	sld [smem:$0x3F9E];
	_ =	swait.ge [sflag:s4], $0x0  }
0x19: {  	s7 =	sld [smem:$0x3F9F]  }
0x1a: {  	s8 =	sadd.s32 $0xFFFFE003, lr  }
0x1b: {  	s9 =	sadd.s32 $0xFFFFFEF7, lr;
	s5 =	simm.s32 $0xFFFFFFFF;
	p2 =	slt.u32 s8, $0xFFFFF086  }
0x1c: {  	p1 =	slt.u32 s9, $0xF7A;
	s5 =	simm.s32 @!p2 $0x0  }
0x1d: {  	s5 =	simm.s32 @p1 $0x1;
	p0 =	seq.s32 s7, s2  }
0x1e: {  	s7 =	smul.u32 @!p0 $0xF7A, s2;
	p2 =	seq.s32 @!p0 s5, $0x0  }
0x1f: {  	s9 =	smul.u32 $0xF7A, s1;
	s8 =	simm.s32 @!p0 $0x1BF5;
	p2 =	por !p2, p0  }
0x20: {  	[sflag:s8] =	ssyncset.s32 @!p0 $0xFFFFF086;
	s6 =	sadd.s32 @!p0 s3, s7;
	s7 =	simm.s32 @!p0 $0x108  }
0x21: {  	s3 =	sadd.s32 s3, s9;
	s6 =	sadd.s32 @!p0 $0x88, s6;
	s7 =	simm.s32 @p2 $0x1082  }
0x22: {  	[simem:s7], [sflag:s8] =	dma.local @!p0 [hbm:s6], $0xF7A  }
0x23: {  	s9 =	sor.u32 $0xD0000000, s2;
	s6 =	simm.s32 $0x108;
	_ =	swait.ge @!p0 [sflag:s8], $0x0  }
0x24: {  	s3 =	sadd.s32 $0x88, s3;
	s6 =	simm.s32 @!p1 $0x1082;
	[sflag:s4] =	ssyncset.s32 $0xFFFFF086  }
0x25: {  	[simem:s6], [sflag:s4] =	dma.local [hbm:s3], $0xF7A  }
0x26: {  	[smem:$0x3F9F] =	sst s1;
	(tag) =	ssettag s2;
	_ =	strace s9  }
0x27: {  	s1 =	sld [smem:$0x3FAF]  }
0x28: {  	s2 =	sld [smem:$0x3FB0]  }
0x29: {  	s4 =	sld [smem:$0x3FB2]  }
0x2a: {  	p0 =	seq.s32 s5, $0x0;
	s5 =	sld [smem:$0x3FB3]  }
0x2b: {  	s6 =	sld [smem:$0x3FB4]  }
0x2c: {  	s7 =	sld [smem:$0x3FB5]  }
0x2d: {  	s3 =	simm.s32 $0x108;
	s8 =	sld [smem:$0x3FB6]  }
0x2e: {  	s3 =	simm.s32 @!p0 $0x1082;
	s9 =	sld [smem:$0x3FB7]  }
0x2f: {  	lr =	sadd.s32 s0, s3;
	s0 =	sld [smem:$0x3FAE]  }
0x30: {  	s3 =	sld [smem:$0x3FB1]  }
0x31: {  	[smem:$0x3FBA] =	sst s10  }
0x32: {  	s10 =	sld [smem:$0x3FB8];
	_ =	sdelay $0x3  }
0x33: {  	p0 =	seq.s32 s10, $0x1;
	s10 =	sld [smem:$0x3FBA];
	_ =	sdelay $0x3  }
0x34: {  	[smem:$0x3FBA] =	sst s10  }
0x35: {  	s10 =	sld [smem:$0x3FB9];
	_ =	sdelay $0x3  }
0x36: {  	p1 =	seq.s32 s10, $0x1;
	s10 =	sld [smem:$0x3FBA];
	_ =	sdelay $0x3  }
0x37: {  	[smem:$0x3FBA] =	sst s10  }
0x38: {  	s10 =	sld [smem:$0x3FBB]  }
0x39: {  	_ = 	snop;
	(pc) =	sbr.ind lr, $3  }
0x3a: {  	_ = 	snop  }
0x3b: {  	_ = 	snop  }
0x3c: {  	p2 =	seq.s32 s10, $0x1;
	s10 =	sld [smem:$0x3FBA]  }
0x3d: {  	_ =	shalt  }
0x3e: {  	_ =	shalt  }
0x3f: {  	_ =	shalt  }
0x40: {  	_ =	shalt  }
0x41: {  	_ =	shalt  }
0x42: {  	_ =	shalt  }
0x43: {  	_ =	shalt  }
0x44: {  	_ =	shalt  }
0x45: {  	_ =	shalt  }
0x46: {  	_ =	shalt  }
0x47: {  	_ =	shalt  }
0x48: {  	_ =	shalt  }
0x49: {  	_ =	shalt  }
0x4a: {  	_ =	shalt  }
0x4b: {  	_ =	shalt  }
0x4c: {  	_ =	shalt  }
0x4d: {  	_ =	shalt  }
0x4e: {  	_ =	shalt  }
0x4f: {  	_ =	shalt  }
0x50: {  	_ =	shalt  }
0x51: {  	_ =	shalt  }
0x52: {  	_ =	shalt  }
0x53: {  	_ =	shalt  }
0x54: {  	_ =	shalt  }
0x55: {  	_ =	shalt  }
0x56: {  	_ =	shalt  }
0x57: {  	_ =	shalt  }
0x58: {  	_ =	shalt  }
0x59: {  	_ =	shalt  }
0x5a: {  	_ =	shalt  }
0x5b: {  	_ =	shalt  }
0x5c: {  	_ =	shalt  }
0x5d: {  	_ =	shalt  }
0x5e: {  	_ =	shalt  }
0x5f: {  	_ =	shalt  }
0x60: {  	_ =	shalt  }
0x61: {  	_ =	shalt  }
0x62: {  	_ =	shalt  }
0x63: {  	_ =	shalt  }
0x64: {  	_ =	shalt  }
0x65: {  	_ =	shalt  }
0x66: {  	_ =	shalt  }
0x67: {  	_ =	shalt  }
0x68: {  	_ =	shalt  }
0x69: {  	_ =	shalt  }
0x6a: {  	_ =	shalt  }
0x6b: {  	_ =	shalt  }
0x6c: {  	_ =	shalt  }
0x6d: {  	_ =	shalt  }
0x6e: {  	_ =	shalt  }
0x6f: {  	_ =	shalt  }
0x70: {  	_ =	shalt  }
0x71: {  	_ =	shalt  }
0x72: {  	_ =	shalt  }
0x73: {  	_ =	shalt  }
0x74: {  	_ =	shalt  }
0x75: {  	_ =	shalt  }
0x76: {  	_ =	shalt  }
0x77: {  	_ =	shalt  }
0x78: {  	_ =	shalt  }
0x79: {  	_ =	shalt  }
0x7a: {  	_ =	shalt  }
0x7b: {  	_ =	shalt  }
0x7c: {  	_ =	shalt  }
0x7d: {  	_ =	shalt  }
0x7e: {  	_ =	shalt  }
0x7f: {  	_ =	shalt  }
0x80: {  	_ =	shalt  }
0x81: {  	_ =	shalt  }
0x82: {  	_ =	shalt  }
0x83: {  	_ =	shalt  }
0x84: {  	_ =	shalt  }
0x85: {  	_ =	shalt  }
0x86: {  	_ =	shalt  }
0x87: {  	_ =	shalt  }
.Lfunc_end0:
.L_simem_size_0:
called_computation_lowered:
.L_overlay_start_0:
0x88: {  	s2 =	sld [smem:$0x3FD9]  }
0x89: {  	s3 =	sld [smem:$0x3FFE];
	_ =	sdelay $0x1  }
0x8a: {  	s1 =	srdreg.scid  }
0x8b: {  	s0 =	sand.u32 $0x1, s1  }
0x8c: {  	s14 =	sshll.u32 s0, $0xA;
	s2 =	sadd.s32 s3, s2  }
0x8d: {  	s2 =	sadd.s32 s2, s14  }
0x8e: {  	[smem:$0x3FC6] =	sst s2  }
0x8f: {  	_ = 	snop  }
0x90: {  	s2 =	sld [smem:$0x3FD0];
	_ =	sdelay $0x2  }
0x91: {  	s15 =	simm.s32 $0xA;
	s4 =	simm.s32 $0x10  }
0x92: {  	[smem:s4], [sflag:s15] =	dma.local [hbm:s2], $0x1  }
0x93: {  	_ =	swait.eq [sflag:s15], $0x1  }
0x94: {  	[sflag:s15] =	ssyncset.done $0x0  }
0x95: {  	[sflag:s15] =	ssyncadd.s32 $0xFFFFFFFF  }
0x96: {  	s16 =	sld [smem:$0x11];
	(tm) =	ssettm $0x1  }
0x97: {  	s17 =	sld [smem:$0x3FFB];
	_ =	sdelay $0x3  }
0x98: {  	_ =	strace s17  }
0x99: {  	s3 =	sld [smem:$0x3FFC];
	_ =	sdelay $0x3  }
0x9a: {  	_ =	strace s3  }
0x9b: {  	s3 =	sld [smem:$0x3FFD];
	_ =	sdelay $0x3  }
0x9c: {  	_ =	strace s3  }
0x9d: {  	_ =	strace $0x8FFFFFFF  }
0x9e: {  	s18 =	sld [smem:$0x3FDB];
	_ =	sdelay $0x1  }
0x9f: {  	s19 =	simm.s32 $_scs_section_size  }
0xa0: {  	s5 =	simm.s32 $_size__tile_overlayer_lowered;
	s6 =	simm.s32 $_tile_overlayer_lowered  }
0xa1: {  	s22 =	simm.s32 $0x1BFF;
	s21 =	sshll.u32 s6, $0x1;
	s3 =	sadd.s32 s19, s18  }
0xa2: {  	s7 =	simm.s32 $0x0;
	s20 =	sshll.u32 s5, $0x1;
	s5 =	sadd.s32 s21, s3  }
0xa3: {  	[timem:s7], [sflag:s22] =	dma.local [hbm:s5], s20  }
0xa4: {  	_ =	swait.ge [sflag:s22], s20  }
0xa5: {  	s4 =	ssub.s32 $0x0, s20;
	[sflag:s22] =	ssyncset.done $0x0  }
0xa6: {  	[sflag:s22] =	ssyncadd.s32 s4;
	_ =	sdelay $0x1  }
0xa7: {  	s23 =	simm.s32 $0x1B8B  }
0xa8: {  	_ =	swait.ge [sflag:s23], $0x1  }
0xa9: {  	[sflag:s23] =	ssyncset.done $0x0  }
0xaa: {  	s25 =	simm.s32 $0x1B8E;
	s24 =	sld [smem:$0x3FFE];
	[sflag:s23] =	ssyncadd.s32 $0xFFFFFFFF  }
0xab: {  	s26 =	simm.s32 $execute0_lowered;
	[smem:$0x3FD2] =	sst s25  }
0xac: {  	s5 =	sshll.u32 s26, $0x1;
	_ =	strace $0x80000046;
	[dreg:$0x1] =	wrdreg $0xFFFFFFFF  }
0xad: {  	s28 =	simm.s32 $_size_execute0_lowered;
	s3 =	sadd.s32 s3, s5;
	[dreg:$0x0] =	wrdreg $0x0  }
0xae: {  	s5 =	sshll.u32 s28, $0x1;
	[dreg:$0x2] =	wrdreg s3  }
0xaf: {  	[dreg:$0x3] =	wrdreg s5  }
0xb0: {  	[dreg:$0x4] =	wrdreg $0xC0  }
0xb1: {  	_ =	task [dreg:s7], $0x5FFFF  }
0xb2: {  	[dreg:$0x1] =	wrdreg $0xFFFFFFFF  }
0xb3: {  	[dreg:$0x0] =	wrdreg $0x60  }
0xb4: {  	[dreg:$0x2] =	wrdreg s16  }
0xb5: {  	[dreg:$0x3] =	wrdreg s24  }
0xb6: {  	[dreg:$0x4] =	wrdreg $0x9  }
0xb7: {  	_ =	task.clear_ibuf [dreg:s7], $0x5FFFF;
	_ =	strace $0x90000046  }
0xb8: {  	s29 =	simm.s32 $0x9;
	_ =	strace $0x80000048  }
0xb9: {  	_ =	swait.ge [sflag:s29], $0x1  }
0xba: {  	[sflag:s29] =	ssyncadd.s32 $0xFFFFFFFF  }
0xbb: {  	_ =	strace $0x90000048  }
0xbc: {  	_ =	sfence  }
0xbd: {  	s30 =	sld [smem:$0x0];
	_ =	sdelay $0x2  }
0xbe: {  	s31 =	sshll.u32 s1, $0xD;
	s1 =	sshrl.u32 s1, $0x2  }
0xbf: {  	s3 =	sand.u32 $0x4000, s31;
	s1 =	sadd.s32 s1, s30  }
0xc0: {  	s0 =	sor.u32 s3, s0;
	s1 =	sshll.u32 s1, $0x11  }
0xc1: {  	s0 =	sor.u32 s1, s0  }
0xc2: {  	s0 =	sadd.s32 $0x8F2B, s0  }
0xc3: {  	[sflag:s0] =	ssyncadd.remote.s32 $0x1  }
0xc4: {  	_ =	sfence.sel $0xFFFF  }
0xc5: {  	[dreg:$0x0] =	wrdreg $0xFFFFFFFF;
	(pc) =	sbr.abs _section_cstart, $3  }
0xc6: {  	[dreg:$0x1] =	wrdreg $0xFFFFFFFF  }
0xc7: {  	_ =	task.clear_ibuf [dreg:s7], $0x2FFFF;
	_ =	strace $0x9FFFFFFF  }
0xc8: {  	(tm) =	ssettm $0x7FFFFFFF  }
0xc9: {  	_ =	shalt  }
tec
execute0_lowered:
.L_overlay_start_1:
0x0: {  	(tag) =	ssettag $0x1  }
0x1: {  	s1 =	rddreg [dreg:$0x0]  }
0x2: {  	s4 =	rddreg [dreg:$0x1]  }
0x3: {  	s0 =	rddreg [dreg:$0x2]  }
0x4: {  	s5 =	srdreg.scid;
	s3 =	simm.s32 $0x0;
	s2 =	stileid.u32  }
0x5: {  	s9 =	simm.s32 $0x1;
	s10 =	simm.s32 $0x8100;
	s5 =	sand.u32 $0x1, s5  }
0x6: {  	[smem:$0x7FF] =	sst s3;
	s6 =	sshll.u32 s2, $0x9;
	s7 =	sshll.u32 s5, $0x8  }
0x7: {  	s11 =	simm.s32 $0x0;
	_ =	strace $0x80000047;
	s6 =	sor.u32 s7, s6  }
0x8: {  	s5 =	ssub.s32 $0x2, s5;
	s7 =	sshrl.u32 s6, $0x3;
	s6 =	sshll.u32 s6, $0x4  }
0x9: {  	s31 =	sshrl.u32 s5, $0x1;
	s7 =	sadd.s32 s7, s4;
	s6 =	sadd.s32 s6, s4  }
0xa: {  	s8 =	ssub.s32 s5, s31;
	s4 =	sadd.s32 $0x400, s7;
	s5 =	sadd.s32 $0x800, s6  }
0xb: {  	s6 =	smax.u32 s8, $0x1;
	s7 =	simm.s32 $0x2;
	s8 =	simm.s32 $0x100  }
.LBB2_1:
0xc: {  	[tilespmem:s3], [sflag:$0x2] =	stream.linear.gather [hbm4b:s4+s3], $0x100, $0x38;
	[tilespmem:$0x10100] =	vst v63  }
0xd: {  	_ =	swait.ge [sflag:s7], $0x100  }
0xe: {  	[sflag:s7] =	ssyncset.done $0x0  }
0xf: {  	[sflag:s7] =	ssyncadd.s32 $0xFFFFFF00  }
0x10: {  	[tilespmem:s8], [sflag:$0x1] =	stream.indirect.gather [hbm4b:s1+s8], $0x80, s3, s8, $0xb8;
	[tilespmem:$0x10100] =	vst v63  }
0x11: {  	_ =	swait.ge [sflag:s9], $0x8000  }
0x12: {  	[sflag:s9] =	ssyncset.done $0x0  }
0x13: {  	s12 =	simm.s32 $0x0;
	[sflag:s9] =	ssyncadd.s32 $0xFFFF8000  }
0x14: {  	v0 =	vld [tilespmem:s12+$0x110]  }
0x15: {  	s13 =	simm.s32 $0x200;
	v1 =	vld [tilespmem:s12+$0x100]  }
.LBB2_2:
0x16: {  	p0 =	sne.s32 s13, $0x1FE00  }
.Ltmp0:
0x17: {  	_ = 	snop;
	(pc) =	sbr.rel @p0 .LBB2_2-.Ltmp0, $4  }
0x18: {  	_ = 	snop  }
0x19: {  	s14 =	sshra.s32 s13, $0x2;
	s13 =	sadd.s32 $0x200, s13;
	[tilespmem:s12+$0x8110] =	vst v0  }
0x1a: {  	v0 =	vld [tilespmem:s14+$0x110];
	[tilespmem:s12+$0x8100] =	vst v1;
	s12 =	smov.u32 s14  }
0x1b: {  	v1 =	vld [tilespmem:s12+$0x100]  }
0x1c: {  	_ =	sdelay $0x1  }
0x1d: {  	s11 =	sadd.s32 $0x1, s11  }
0x1e: {  	p0 =	sne.s32 s11, s6;
	[tilespmem:s12+$0x8110] =	vst v0  }
.Ltmp1:
0x1f: {  	[tilespmem:s12+$0x8100] =	vst v1;
	(pc) =	sbr.rel @p0 .LBB2_1-.Ltmp1, $4  }
0x20: {  	[hbm4b:s5+s3] =	stream.linear.scatter [tilespmem:s10], [sflag:$0x2], $0x8000, $0x38;
	[tilespmem:$0x10100] =	vst v63  }
0x21: {  	_ =	swait.ge [sflag:s7], $0x8000  }
0x22: {  	[sflag:s7] =	ssyncset.done $0x0  }
0x23: {  	[sflag:s7] =	ssyncadd.s32 $0xFFFF8000  }
0x24: {  	_ =	sfence.sel $0x180000  }
0x25: {  	[bflag:$0x0] =	sbarrier.arrive $0xFFFF  }
0x26: {  	p0 =	sne.s32 s2, $0x0;
	_ =	strace $0x90000047  }
0x27: {  	s0 =	sadd.s32 @!p0 $0x100000, s0;
	[bflag:$0x2] =	sbarrier.arrive $0xFFFF  }
0x28: {  	[sflag:s0] =	ssyncadd.tile.s32 @!p0 $0x1;
	_ =	shalt  }
.Lfunc_end2:
_tile_overlayer_lowered:
.L_overlay_start_2:
0x29: {  	(tag) =	ssettag $0x2  }
0x2a: {  	s0 =	rddreg [dreg:$0x0];
	s2 =	stileid.u32  }
0x2b: {  	s1 =	rddreg [dreg:$0x1];
	p0 =	sne.s32 s2, $0x0  }
0x2c: {  	s3 =	rddreg [dreg:$0x2];
	[bflag:$0x3] =	sbarrier.arrive $0xFFFF;
	s2 =	simm.s32 @!p0 $0x1C02  }
0x2d: {  	[timem:s3], [sflag:s2] =	dma.local @!p0 [hbm:s0], s1  }
0x2e: {  	s0 =	simm.s32 @!p0 $0x2  }
0x2f: {  	_ =	swait.ge @!p0 [sflag:s0], s1  }
0x30: {  	s1 =	ssub.s32 @!p0 $0x0, s1;
	[sflag:s0] =	ssyncset.done @!p0 $0x0  }
0x31: {  	[sflag:s0] =	ssyncadd.s32 @!p0 s1  }
0x32: {  	[bflag:$0x3] =	sbarrier.arrive $0xFFFF  }
0x33: {  	_ =	shalt  }

</sc_bundles>
